<compile_context>
chip_gen: v7x
topology: tpu7x:2x2x1
jax: 0.10.2.dev20260603
libtpu: 0.0.44.dev20260713+nightly
codegen_flags: <defaults>
</compile_context>

<pallas_src>
import functools

import jax
import jax.numpy as jnp
from jax import lax
from jax.experimental import pallas as pl
from jax.experimental.pallas import tpu as pltpu
from jax.experimental.pallas import tpu_sc as plsc

HIDDEN = 128
HALF = 64
NC = 2
NS = 16
NW = NC * NS
L = 16
K = 128
NBUF = 2


def _interleave_bf16(table):
    n = table.shape[0]
    re = table[:, :HALF].astype(jnp.bfloat16)
    im = table[:, HALF:].astype(jnp.bfloat16)
    return jnp.stack([re, im], axis=-1).reshape(n, HIDDEN)


@functools.partial(jax.jit, static_argnames=("chunks_per_worker",))
def _sc_score(node_embeddings, idx3, relation_weight, chunks_per_worker):
    padded = idx3.shape[1]
    per_worker = chunks_per_worker * K

    mesh = plsc.VectorSubcoreMesh(core_axis_name="c", subcore_axis_name="s",
                                  num_cores=NC, num_subcores=NS)

    @functools.partial(
        pl.kernel,
        out_type=jax.ShapeDtypeStruct((padded,), jnp.float32),
        mesh=mesh,
        compiler_params=pltpu.CompilerParams(needs_layout_passes=False, use_tc_tiling_on_sc=False),
        scratch_types=(
            [pltpu.VMEM((3, K), jnp.int32) for _ in range(NBUF)]
            + [pltpu.VMEM((K, HIDDEN), jnp.bfloat16) for _ in range(3 * NBUF)]
            + [pltpu.VMEM((K, HIDDEN), jnp.float32)]
            + [pltpu.VMEM((K,), jnp.float32) for _ in range(NBUF)]
            + [pltpu.SemaphoreType.DMA for _ in range(3 * NBUF)]
        ),
    )
    def scorer(node_hbm, idx3_hbm, rel_hbm, out_hbm,
               ix0, ix1, hrow0, trow0, rrow0, hrow1, trow1, rrow1, dummy, oc0, oc1,
               semi0, semi1, semg0, semg1, semo0, semo1):
        ix = (ix0, ix1)
        rows = ((hrow0, trow0, rrow0), (hrow1, trow1, rrow1))
        oc = (oc0, oc1)
        semi = (semi0, semi1)
        semg = (semg0, semg1)
        semo = (semo0, semo1)

        wid = lax.axis_index("s") * NC + lax.axis_index("c")
        base = wid * per_worker
        nchunks = chunks_per_worker

        def issue_idx(ci, b):
            off = base + ci * K
            pltpu.async_copy(idx3_hbm.at[:, pl.ds(off, K)], ix[b], semi[b])

        def wait_idx(b):
            pltpu.make_async_copy(idx3_hbm.at[:, pl.ds(0, K)], ix[b],
                                  semi[b]).wait()

        def issue_gathers(b):
            hb, tb, rb = rows[b]
            pltpu.async_copy(node_hbm.at[ix[b].at[0]], hb, semg[b])
            pltpu.async_copy(node_hbm.at[ix[b].at[1]], tb, semg[b])
            pltpu.async_copy(rel_hbm.at[ix[b].at[2]], rb, semg[b])

        def wait_gathers(b):
            hb, tb, rb = rows[b]
            pltpu.make_async_copy(node_hbm.at[pl.ds(0, K)], hb, semg[b]).wait()
            pltpu.make_async_copy(node_hbm.at[pl.ds(0, K)], tb, semg[b]).wait()
            pltpu.make_async_copy(node_hbm.at[pl.ds(0, K)], rb, semg[b]).wait()

        def issue_out(ci, b):
            off = base + ci * K
            pltpu.async_copy(oc[b], out_hbm.at[pl.ds(off, K)], semo[b])

        def wait_out(b):
            pltpu.make_async_copy(out_hbm.at[pl.ds(0, K)], oc[b],
                                  semo[b]).wait()

        def compute(b):
            hb = tb = rb = dummy

            def group_body(g, _):
                row = g * L + lax.iota(jnp.int32, L)
                rot = lax.iota(jnp.int32, L)

                def dim_body(d, acc):
                    lo = (rot + d) & (HALF - 1)
                    hi = lo + HALF
                    hr = plsc.load_gather(hb, [row, lo])
                    hh = plsc.load_gather(hb, [row, hi])
                    tr = plsc.load_gather(tb, [row, lo])
                    ti = plsc.load_gather(tb, [row, hi])
                    rr = plsc.load_gather(rb, [row, lo])
                    ri = plsc.load_gather(rb, [row, hi])
                    return acc + tr * (hr * rr - hh * ri) + ti * (hr * ri + hh * rr)

                acc = lax.fori_loop(0, HALF, dim_body,
                                    jnp.zeros((L,), jnp.float32))
                oc[b][pl.ds(g * L, L)] = acc
                return 0

            lax.fori_loop(0, K // L, group_body, 0)

        issue_idx(0, 0)
        issue_idx(1, 1)
        wait_idx(0)
        issue_gathers(0)

        def super_body(s, _):
            for b in range(NBUF):
                ci = NBUF * s + b
                bn = 1 - b
                wait_gathers(b)

                @pl.when(ci + 2 < nchunks)
                def _(ci=ci, b=b):
                    issue_idx(ci + 2, b)

                @pl.when(ci + 1 < nchunks)
                def _(bn=bn):
                    wait_idx(bn)
                    issue_gathers(bn)

                @pl.when(ci >= 2)
                def _(b=b):
                    wait_out(b)

                compute(b)
                issue_out(ci, b)
            return 0

        lax.fori_loop(0, nchunks // NBUF, super_body, 0)
        wait_out(0)
        wait_out(1)

    return scorer(node_embeddings, idx3, relation_weight)


def kernel(node_embeddings, head_indices, tail_indices, relation_indices,
           relation_weight):
    nt = head_indices.shape[0]
    group = NW * K * NBUF
    padded = ((nt + group - 1) // group) * group
    pad = padded - nt
    idx3 = jnp.stack([
        jnp.pad(head_indices.astype(jnp.int32), (0, pad)),
        jnp.pad(tail_indices.astype(jnp.int32), (0, pad)),
        jnp.pad(relation_indices.astype(jnp.int32), (0, pad)),
    ])
    out = _sc_score(_interleave_bf16(node_embeddings), idx3,
                    _interleave_bf16(relation_weight),
                    chunks_per_worker=padded // (NW * K))
    return out[:nt]

# --- scband reference (transcript-rebuilt; emitter-appended) ---
"""Pipeline reference for scband-compl-ex-decoder-84550726189814 (READ-ONLY COPY).

The authoritative reference and input builder live on the scoring server;
editing this copy changes nothing except your own understanding.
"""

import jax, jax.numpy as jnp
import numpy as np

N_NODES = 100000
N_TRIPLES = 500000
HIDDEN_DIM = 128
NUM_RELATIONS = 1000


def setup_inputs(seed: int = 0) -> dict:
    key = jax.random.key(seed)
    k1, k2, k3, k4, k5 = jax.random.split(key, 5)
    node_embeddings = jax.random.normal(k1, (N_NODES, HIDDEN_DIM), dtype=jnp.float32)
    head_indices = jax.random.randint(k2, (N_TRIPLES,), 0, N_NODES, dtype=jnp.int64 if jax.config.jax_enable_x64 else jnp.int32)
    tail_indices = jax.random.randint(k3, (N_TRIPLES,), 0, N_NODES, dtype=jnp.int64 if jax.config.jax_enable_x64 else jnp.int32)
    relation_indices = jax.random.randint(k4, (N_TRIPLES,), 0, NUM_RELATIONS, dtype=jnp.int64 if jax.config.jax_enable_x64 else jnp.int32)
    # xavier_uniform for relation embedding table [NUM_RELATIONS, HIDDEN_DIM]
    bound = float(np.sqrt(6.0 / (NUM_RELATIONS + HIDDEN_DIM)))
    relation_weight = jax.random.uniform(k5, (NUM_RELATIONS, HIDDEN_DIM), dtype=jnp.float32, minval=-bound, maxval=bound)
    return {
        'node_embeddings': node_embeddings,
        'head_indices': head_indices,
        'tail_indices': tail_indices,
        'relation_indices': relation_indices,
        'relation_weight': relation_weight,
    }


def reference(node_embeddings, head_indices, tail_indices, relation_indices, relation_weight):
    head_emb = jnp.take(node_embeddings, head_indices, axis=0)
    tail_emb = jnp.take(node_embeddings, tail_indices, axis=0)
    rel_emb = jnp.take(relation_weight, relation_indices, axis=0)
    head_real, head_img = jnp.split(head_emb, 2, axis=-1)
    tail_real, tail_img = jnp.split(tail_emb, 2, axis=-1)
    rel_real, rel_img = jnp.split(rel_emb, 2, axis=-1)
    score_real = jnp.sum(
        head_real * rel_real * tail_real
        + head_real * rel_img * tail_img
        + head_img * rel_real * tail_img
        - head_img * rel_img * tail_real,
        axis=-1,
    )
    return score_real

if __name__ == "__main__":
    import jax
    _d = setup_inputs()
    print(jax.jit(kernel)(*tuple(_d.values())))

</pallas_src>

<mosaic_0001>
#map = affine_map<(d0, d1) -> (0, 0)>
#map1 = affine_map<(d0, d1) -> (0)>
module attributes {stable_mosaic.version = 14 : i64} {
  func.func @scorer(%arg0: i32, %arg1: i32, %arg2: memref<100000x128xbf16, #tpu.memory_space<hbm>>, %arg3: memref<3x507904xi32, #tpu.memory_space<hbm>>, %arg4: memref<1000x128xbf16, #tpu.memory_space<hbm>>, %arg5: memref<507904xf32, #tpu.memory_space<hbm>>, %arg6: memref<3x128xi32, #tpu.memory_space<vmem>>, %arg7: memref<3x128xi32, #tpu.memory_space<vmem>>, %arg8: memref<128x128xbf16, #tpu.memory_space<vmem>>, %arg9: memref<128x128xbf16, #tpu.memory_space<vmem>>, %arg10: memref<128x128xbf16, #tpu.memory_space<vmem>>, %arg11: memref<128x128xbf16, #tpu.memory_space<vmem>>, %arg12: memref<128x128xbf16, #tpu.memory_space<vmem>>, %arg13: memref<128x128xbf16, #tpu.memory_space<vmem>>, %arg14: memref<128x128xf32, #tpu.memory_space<vmem>>, %arg15: memref<128xf32, #tpu.memory_space<vmem>>, %arg16: memref<128xf32, #tpu.memory_space<vmem>>, %arg17: memref<!tpu.dma_semaphore, #tpu.memory_space<semaphore_mem>>, %arg18: memref<!tpu.dma_semaphore, #tpu.memory_space<semaphore_mem>>, %arg19: memref<!tpu.dma_semaphore, #tpu.memory_space<semaphore_mem>>, %arg20: memref<!tpu.dma_semaphore, #tpu.memory_space<semaphore_mem>>, %arg21: memref<!tpu.dma_semaphore, #tpu.memory_space<semaphore_mem>>, %arg22: memref<!tpu.dma_semaphore, #tpu.memory_space<semaphore_mem>>) attributes {dimension_semantics = [#tpu.dimension_semantics<core_parallel>, #tpu.dimension_semantics<subcore_parallel>], iteration_bounds = array<i64: 2, 16>, scalar_prefetch = 0 : i64, scratch_operands = 17 : i64, tpu.core_type = #tpu.core_type<sc_vector_subcore>, window_params = [{transform_indices = #map}, {transform_indices = #map}, {transform_indices = #map}, {transform_indices = #map1}]} {
    %mul3A = arith.constant 2 : i32
    %mul3A_0 = arith.muli %arg1, %mul3A : i32
    %add3A = arith.addi %mul3A_0, %arg0 : i32
    %mul3A_1 = arith.constant 15872 : i32
    %mul3A_2 = arith.muli %add3A, %mul3A_1 : i32
    %add3A_3 = arith.constant 0 : i32
    %add3A_4 = arith.addi %mul3A_2, %add3A_3 : i32
    %dma_start3A = arith.constant 0 : i32
    %dma_start3A_5 = tpu.memref_slice %arg3[%dma_start3A, %add3A_4] : memref<3x507904xi32, #tpu.memory_space<hbm>> -> memref<3x128xi32, #tpu.memory_space<hbm>>
    %dma_start3A_6 = arith.constant 0 : i32
    %dma_start3A_7 = tpu.memref_slice %arg3[%dma_start3A_6, %add3A_4] : memref<3x507904xi32, #tpu.memory_space<hbm>> -> memref<3x128xi32, #tpu.memory_space<hbm>>
    tpu.enqueue_dma source(%dma_start3A_7 : memref<3x128xi32, #tpu.memory_space<hbm>>) target(%arg6 : memref<3x128xi32, #tpu.memory_space<vmem>>) target_semaphore(%arg17 : memref<!tpu.dma_semaphore, #tpu.memory_space<semaphore_mem>>)
    %add3A_8 = arith.constant 128 : i32
    %add3A_9 = arith.addi %mul3A_2, %add3A_8 : i32
    %dma_start3A_10 = arith.constant 0 : i32
    %dma_start3A_11 = tpu.memref_slice %arg3[%dma_start3A_10, %add3A_9] : memref<3x507904xi32, #tpu.memory_space<hbm>> -> memref<3x128xi32, #tpu.memory_space<hbm>>
    %dma_start3A_12 = arith.constant 0 : i32
    %dma_start3A_13 = tpu.memref_slice %arg3[%dma_start3A_12, %add3A_9] : memref<3x507904xi32, #tpu.memory_space<hbm>> -> memref<3x128xi32, #tpu.memory_space<hbm>>
    tpu.enqueue_dma source(%dma_start3A_13 : memref<3x128xi32, #tpu.memory_space<hbm>>) target(%arg7 : memref<3x128xi32, #tpu.memory_space<vmem>>) target_semaphore(%arg18 : memref<!tpu.dma_semaphore, #tpu.memory_space<semaphore_mem>>)
    %dma_wait3A = arith.constant 0 : i32
    %dma_wait3A_14 = arith.constant 0 : i32
    %dma_wait3A_15 = tpu.memref_slice %arg3[%dma_wait3A, %dma_wait3A_14] : memref<3x507904xi32, #tpu.memory_space<hbm>> -> memref<3x128xi32, #tpu.memory_space<hbm>>
    %dma_wait3A_16 = arith.constant 0 : i32
    %dma_wait3A_17 = arith.constant 0 : i32
    %dma_wait3A_18 = tpu.memref_slice %arg3[%dma_wait3A_16, %dma_wait3A_17] : memref<3x507904xi32, #tpu.memory_space<hbm>> -> memref<3x128xi32, #tpu.memory_space<hbm>>
    tpu.wait_dma2 semaphore(%arg17 : memref<!tpu.dma_semaphore, #tpu.memory_space<semaphore_mem>>) src(%dma_wait3A_18 : memref<3x128xi32, #tpu.memory_space<hbm>>) dst(%arg6 : memref<3x128xi32, #tpu.memory_space<vmem>>)
    %dma_start3A_19 = arith.constant 0 : i32
    %dma_start3A_20 = arith.constant 0 : i32
    %dma_start3A_21 = tpu.memref_slice %arg6[%dma_start3A_19, %dma_start3A_20] : memref<3x128xi32, #tpu.memory_space<vmem>> -> memref<1x128xi32, #tpu.memory_space<vmem>>
    %dma_start3A_22 = tpu.memref_squeeze %dma_start3A_21 : memref<1x128xi32, #tpu.memory_space<vmem>> -> memref<128xi32, #tpu.memory_space<vmem>>
    %dma_start3A_23 = arith.constant 0 : i32
    %dma_start3A_24 = arith.constant 0 : i32
    %dma_start3A_25 = tpu.memref_slice %arg2[%dma_start3A_23, %dma_start3A_24] : memref<100000x128xbf16, #tpu.memory_space<hbm>> -> memref<100000x128xbf16, #tpu.memory_space<hbm>>
    tpu.enqueue_indirect_dma source(%dma_start3A_25 : memref<100000x128xbf16, #tpu.memory_space<hbm>>) target(%arg8 : memref<128x128xbf16, #tpu.memory_space<vmem>>) offsets(%dma_start3A_22 : memref<128xi32, #tpu.memory_space<vmem>>) semaphore(%arg19 : memref<!tpu.dma_semaphore, #tpu.memory_space<semaphore_mem>>)
    %dma_start3A_26 = arith.constant 1 : i32
    %dma_start3A_27 = arith.constant 0 : i32
    %dma_start3A_28 = tpu.memref_slice %arg6[%dma_start3A_26, %dma_start3A_27] : memref<3x128xi32, #tpu.memory_space<vmem>> -> memref<1x128xi32, #tpu.memory_space<vmem>>
    %dma_start3A_29 = tpu.memref_squeeze %dma_start3A_28 : memref<1x128xi32, #tpu.memory_space<vmem>> -> memref<128xi32, #tpu.memory_space<vmem>>
    %dma_start3A_30 = arith.constant 0 : i32
    %dma_start3A_31 = arith.constant 0 : i32
    %dma_start3A_32 = tpu.memref_slice %arg2[%dma_start3A_30, %dma_start3A_31] : memref<100000x128xbf16, #tpu.memory_space<hbm>> -> memref<100000x128xbf16, #tpu.memory_space<hbm>>
    tpu.enqueue_indirect_dma source(%dma_start3A_32 : memref<100000x128xbf16, #tpu.memory_space<hbm>>) target(%arg9 : memref<128x128xbf16, #tpu.memory_space<vmem>>) offsets(%dma_start3A_29 : memref<128xi32, #tpu.memory_space<vmem>>) semaphore(%arg19 : memref<!tpu.dma_semaphore, #tpu.memory_space<semaphore_mem>>)
    %dma_start3A_33 = arith.constant 2 : i32
    %dma_start3A_34 = arith.constant 0 : i32
    %dma_start3A_35 = tpu.memref_slice %arg6[%dma_start3A_33, %dma_start3A_34] : memref<3x128xi32, #tpu.memory_space<vmem>> -> memref<1x128xi32, #tpu.memory_space<vmem>>
    %dma_start3A_36 = tpu.memref_squeeze %dma_start3A_35 : memref<1x128xi32, #tpu.memory_space<vmem>> -> memref<128xi32, #tpu.memory_space<vmem>>
    %dma_start3A_37 = arith.constant 0 : i32
    %dma_start3A_38 = arith.constant 0 : i32
    %dma_start3A_39 = tpu.memref_slice %arg4[%dma_start3A_37, %dma_start3A_38] : memref<1000x128xbf16, #tpu.memory_space<hbm>> -> memref<1000x128xbf16, #tpu.memory_space<hbm>>
    tpu.enqueue_indirect_dma source(%dma_start3A_39 : memref<1000x128xbf16, #tpu.memory_space<hbm>>) target(%arg10 : memref<128x128xbf16, #tpu.memory_space<vmem>>) offsets(%dma_start3A_36 : memref<128xi32, #tpu.memory_space<vmem>>) semaphore(%arg19 : memref<!tpu.dma_semaphore, #tpu.memory_space<semaphore_mem>>)
    %scan3A = arith.constant 0 : i32
    %scan3A_40 = arith.constant 0 : i32
    %scan3A_41 = arith.constant 62 : i32
    %scan3A_42 = arith.addi %scan3A_40, %scan3A_41 : i32
    %scan3A_43 = arith.constant 1 : i32
    %scan3A_44 = scf.for %scan3A_54 = %scan3A_40 to %scan3A_42 step %scan3A_43 iter_args(%scan3A_55 = %scan3A) -> (i32)  : i32 {
      %mul3A_56 = arith.constant 2 : i32
      %mul3A_57 = arith.muli %mul3A_56, %scan3A_54 : i32
      %add3A_58 = arith.constant 0 : i32
      %add3A_59 = arith.addi %mul3A_57, %add3A_58 : i32
      %dma_wait3A_60 = arith.constant 0 : i32
      %dma_wait3A_61 = arith.constant 0 : i32
      %dma_wait3A_62 = tpu.memref_slice %arg2[%dma_wait3A_60, %dma_wait3A_61] : memref<100000x128xbf16, #tpu.memory_space<hbm>> -> memref<128x128xbf16, #tpu.memory_space<hbm>>
      %dma_wait3A_63 = arith.constant 0 : i32
      %dma_wait3A_64 = arith.constant 0 : i32
      %dma_wait3A_65 = tpu.memref_slice %arg2[%dma_wait3A_63, %dma_wait3A_64] : memref<100000x128xbf16, #tpu.memory_space<hbm>> -> memref<128x128xbf16, #tpu.memory_space<hbm>>
      tpu.wait_dma2 semaphore(%arg19 : memref<!tpu.dma_semaphore, #tpu.memory_space<semaphore_mem>>) src(%dma_wait3A_65 : memref<128x128xbf16, #tpu.memory_space<hbm>>) dst(%arg8 : memref<128x128xbf16, #tpu.memory_space<vmem>>)
      %dma_wait3A_66 = arith.constant 0 : i32
      %dma_wait3A_67 = arith.constant 0 : i32
      %dma_wait3A_68 = tpu.memref_slice %arg2[%dma_wait3A_66, %dma_wait3A_67] : memref<100000x128xbf16, #tpu.memory_space<hbm>> -> memref<128x128xbf16, #tpu.memory_space<hbm>>
      %dma_wait3A_69 = arith.constant 0 : i32
      %dma_wait3A_70 = arith.constant 0 : i32
      %dma_wait3A_71 = tpu.memref_slice %arg2[%dma_wait3A_69, %dma_wait3A_70] : memref<100000x128xbf16, #tpu.memory_space<hbm>> -> memref<128x128xbf16, #tpu.memory_space<hbm>>
      tpu.wait_dma2 semaphore(%arg19 : memref<!tpu.dma_semaphore, #tpu.memory_space<semaphore_mem>>) src(%dma_wait3A_71 : memref<128x128xbf16, #tpu.memory_space<hbm>>) dst(%arg9 : memref<128x128xbf16, #tpu.memory_space<vmem>>)
      %dma_wait3A_72 = arith.constant 0 : i32
      %dma_wait3A_73 = arith.constant 0 : i32
      %dma_wait3A_74 = tpu.memref_slice %arg2[%dma_wait3A_72, %dma_wait3A_73] : memref<100000x128xbf16, #tpu.memory_space<hbm>> -> memref<128x128xbf16, #tpu.memory_space<hbm>>
      %dma_wait3A_75 = arith.constant 0 : i32
      %dma_wait3A_76 = arith.constant 0 : i32
      %dma_wait3A_77 = tpu.memref_slice %arg2[%dma_wait3A_75, %dma_wait3A_76] : memref<100000x128xbf16, #tpu.memory_space<hbm>> -> memref<128x128xbf16, #tpu.memory_space<hbm>>
      tpu.wait_dma2 semaphore(%arg19 : memref<!tpu.dma_semaphore, #tpu.memory_space<semaphore_mem>>) src(%dma_wait3A_77 : memref<128x128xbf16, #tpu.memory_space<hbm>>) dst(%arg10 : memref<128x128xbf16, #tpu.memory_space<vmem>>)
      %add3A_78 = arith.constant 2 : i32
      %add3A_79 = arith.addi %add3A_59, %add3A_78 : i32
      %lt3A = arith.constant 124 : i32
      %lt3A_80 = arith.cmpi slt, %add3A_79, %lt3A : i32
      %convert_element_type3A = arith.extui %lt3A_80 : i1 to i32
      %cond3A = arith.constant 0 : i32
      %cond3A_81 = arith.cmpi ne, %convert_element_type3A, %cond3A : i32
      scf.if %cond3A_81 {
        %add3A_159 = arith.constant 2 : i32
        %add3A_160 = arith.addi %add3A_59, %add3A_159 : i32
        %mul3A_161 = arith.constant 128 : i32
        %mul3A_162 = arith.muli %add3A_160, %mul3A_161 : i32
        %add3A_163 = arith.addi %mul3A_2, %mul3A_162 : i32
        %dma_start3A_164 = arith.constant 0 : i32
        %dma_start3A_165 = tpu.memref_slice %arg3[%dma_start3A_164, %add3A_163] : memref<3x507904xi32, #tpu.memory_space<hbm>> -> memref<3x128xi32, #tpu.memory_space<hbm>>
        %dma_start3A_166 = arith.constant 0 : i32
        %dma_start3A_167 = tpu.memref_slice %arg3[%dma_start3A_166, %add3A_163] : memref<3x507904xi32, #tpu.memory_space<hbm>> -> memref<3x128xi32, #tpu.memory_space<hbm>>
        tpu.enqueue_dma source(%dma_start3A_167 : memref<3x128xi32, #tpu.memory_space<hbm>>) target(%arg6 : memref<3x128xi32, #tpu.memory_space<vmem>>) target_semaphore(%arg17 : memref<!tpu.dma_semaphore, #tpu.memory_space<semaphore_mem>>)
      } else {
      }
      %add3A_82 = arith.constant 1 : i32
      %add3A_83 = arith.addi %add3A_59, %add3A_82 : i32
      %lt3A_84 = arith.constant 124 : i32
      %lt3A_85 = arith.cmpi slt, %add3A_83, %lt3A_84 : i32
      %convert_element_type3A_86 = arith.extui %lt3A_85 : i1 to i32
      %cond3A_87 = arith.constant 0 : i32
      %cond3A_88 = arith.cmpi ne, %convert_element_type3A_86, %cond3A_87 : i32
      scf.if %cond3A_88 {
        %dma_wait3A_159 = arith.constant 0 : i32
        %dma_wait3A_160 = arith.constant 0 : i32
        %dma_wait3A_161 = tpu.memref_slice %arg3[%dma_wait3A_159, %dma_wait3A_160] : memref<3x507904xi32, #tpu.memory_space<hbm>> -> memref<3x128xi32, #tpu.memory_space<hbm>>
        %dma_wait3A_162 = arith.constant 0 : i32
        %dma_wait3A_163 = arith.constant 0 : i32
        %dma_wait3A_164 = tpu.memref_slice %arg3[%dma_wait3A_162, %dma_wait3A_163] : memref<3x507904xi32, #tpu.memory_space<hbm>> -> memref<3x128xi32, #tpu.memory_space<hbm>>
        tpu.wait_dma2 semaphore(%arg18 : memref<!tpu.dma_semaphore, #tpu.memory_space<semaphore_mem>>) src(%dma_wait3A_164 : memref<3x128xi32, #tpu.memory_space<hbm>>) dst(%arg7 : memref<3x128xi32, #tpu.memory_space<vmem>>)
        %dma_start3A_165 = arith.constant 0 : i32
        %dma_start3A_166 = arith.constant 0 : i32
        %dma_start3A_167 = tpu.memref_slice %arg7[%dma_start3A_165, %dma_start3A_166] : memref<3x128xi32, #tpu.memory_space<vmem>> -> memref<1x128xi32, #tpu.memory_space<vmem>>
        %dma_start3A_168 = tpu.memref_squeeze %dma_start3A_167 : memref<1x128xi32, #tpu.memory_space<vmem>> -> memref<128xi32, #tpu.memory_space<vmem>>
        %dma_start3A_169 = arith.constant 0 : i32
        %dma_start3A_170 = arith.constant 0 : i32
        %dma_start3A_171 = tpu.memref_slice %arg2[%dma_start3A_169, %dma_start3A_170] : memref<100000x128xbf16, #tpu.memory_space<hbm>> -> memref<100000x128xbf16, #tpu.memory_space<hbm>>
        tpu.enqueue_indirect_dma source(%dma_start3A_171 : memref<100000x128xbf16, #tpu.memory_space<hbm>>) target(%arg11 : memref<128x128xbf16, #tpu.memory_space<vmem>>) offsets(%dma_start3A_168 : memref<128xi32, #tpu.memory_space<vmem>>) semaphore(%arg20 : memref<!tpu.dma_semaphore, #tpu.memory_space<semaphore_mem>>)
        %dma_start3A_172 = arith.constant 1 : i32
        %dma_start3A_173 = arith.constant 0 : i32
        %dma_start3A_174 = tpu.memref_slice %arg7[%dma_start3A_172, %dma_start3A_173] : memref<3x128xi32, #tpu.memory_space<vmem>> -> memref<1x128xi32, #tpu.memory_space<vmem>>
        %dma_start3A_175 = tpu.memref_squeeze %dma_start3A_174 : memref<1x128xi32, #tpu.memory_space<vmem>> -> memref<128xi32, #tpu.memory_space<vmem>>
        %dma_start3A_176 = arith.constant 0 : i32
        %dma_start3A_177 = arith.constant 0 : i32
        %dma_start3A_178 = tpu.memref_slice %arg2[%dma_start3A_176, %dma_start3A_177] : memref<100000x128xbf16, #tpu.memory_space<hbm>> -> memref<100000x128xbf16, #tpu.memory_space<hbm>>
        tpu.enqueue_indirect_dma source(%dma_start3A_178 : memref<100000x128xbf16, #tpu.memory_space<hbm>>) target(%arg12 : memref<128x128xbf16, #tpu.memory_space<vmem>>) offsets(%dma_start3A_175 : memref<128xi32, #tpu.memory_space<vmem>>) semaphore(%arg20 : memref<!tpu.dma_semaphore, #tpu.memory_space<semaphore_mem>>)
        %dma_start3A_179 = arith.constant 2 : i32
        %dma_start3A_180 = arith.constant 0 : i32
        %dma_start3A_181 = tpu.memref_slice %arg7[%dma_start3A_179, %dma_start3A_180] : memref<3x128xi32, #tpu.memory_space<vmem>> -> memref<1x128xi32, #tpu.memory_space<vmem>>
        %dma_start3A_182 = tpu.memref_squeeze %dma_start3A_181 : memref<1x128xi32, #tpu.memory_space<vmem>> -> memref<128xi32, #tpu.memory_space<vmem>>
        %dma_start3A_183 = arith.constant 0 : i32
        %dma_start3A_184 = arith.constant 0 : i32
        %dma_start3A_185 = tpu.memref_slice %arg4[%dma_start3A_183, %dma_start3A_184] : memref<1000x128xbf16, #tpu.memory_space<hbm>> -> memref<1000x128xbf16, #tpu.memory_space<hbm>>
        tpu.enqueue_indirect_dma source(%dma_start3A_185 : memref<1000x128xbf16, #tpu.memory_space<hbm>>) target(%arg13 : memref<128x128xbf16, #tpu.memory_space<vmem>>) offsets(%dma_start3A_182 : memref<128xi32, #tpu.memory_space<vmem>>) semaphore(%arg20 : memref<!tpu.dma_semaphore, #tpu.memory_space<semaphore_mem>>)
      } else {
      }
      %ge3A = arith.constant 2 : i32
      %ge3A_89 = arith.cmpi sge, %add3A_59, %ge3A : i32
      %convert_element_type3A_90 = arith.extui %ge3A_89 : i1 to i32
      %cond3A_91 = arith.constant 0 : i32
      %cond3A_92 = arith.cmpi ne, %convert_element_type3A_90, %cond3A_91 : i32
      scf.if %cond3A_92 {
        %dma_wait3A_159 = arith.constant 0 : i32
        %dma_wait3A_160 = tpu.memref_slice %arg5[%dma_wait3A_159] : memref<507904xf32, #tpu.memory_space<hbm>> -> memref<128xf32, #tpu.memory_space<hbm>>
        %dma_wait3A_161 = arith.constant 0 : i32
        %dma_wait3A_162 = tpu.memref_slice %arg5[%dma_wait3A_161] : memref<507904xf32, #tpu.memory_space<hbm>> -> memref<128xf32, #tpu.memory_space<hbm>>
        tpu.wait_dma2 semaphore(%arg21 : memref<!tpu.dma_semaphore, #tpu.memory_space<semaphore_mem>>) src(%dma_wait3A_162 : memref<128xf32, #tpu.memory_space<hbm>>) dst(%arg15 : memref<128xf32, #tpu.memory_space<vmem>>)
      } else {
      }
      %scan3A_93 = arith.constant 0 : i32
      %scan3A_94 = arith.constant 0 : i32
      %scan3A_95 = arith.constant 8 : i32
      %scan3A_96 = arith.addi %scan3A_94, %scan3A_95 : i32
      %scan3A_97 = arith.constant 1 : i32
      %scan3A_98 = scf.for %scan3A_159 = %scan3A_94 to %scan3A_96 step %scan3A_97 iter_args(%scan3A_160 = %scan3A_93) -> (i32)  : i32 {
        %mul3A_161 = arith.constant 16 : i32
        %mul3A_162 = arith.muli %scan3A_159, %mul3A_161 : i32
        %iota3A = tpu.iota {dimensions = array<i32: 0>} : vector<16xi32>
        %add3A_163 = vector.broadcast %mul3A_162 : i32 to vector<16xi32>
        %add3A_164 = arith.addi %add3A_163, %iota3A : vector<16xi32>
        %iota3A_165 = tpu.iota {dimensions = array<i32: 0>} : vector<16xi32>
        %broadcast_in_dim3A = arith.constant 0.000000e+00 : f32
        %broadcast_in_dim3A_166 = vector.broadcast %broadcast_in_dim3A : f32 to vector<16xf32>
        %scan3A_167 = arith.constant 0 : i32
        %scan3A_168 = arith.constant 64 : i32
        %scan3A_169 = arith.addi %scan3A_167, %scan3A_168 : i32
        %scan3A_170 = arith.constant 1 : i32
        %scan3A_171 = scf.for %scan3A_177 = %scan3A_167 to %scan3A_169 step %scan3A_170 iter_args(%scan3A_178 = %broadcast_in_dim3A_166) -> (vector<16xf32>)  : i32 {
          %add3A_179 = vector.broadcast %scan3A_177 : i32 to vector<16xi32>
          %add3A_180 = arith.addi %iota3A_165, %add3A_179 : vector<16xi32>
          %and3A = arith.constant 63 : i32
          %and3A_181 = vector.broadcast %and3A : i32 to vector<16xi32>
          %and3A_182 = arith.andi %add3A_180, %and3A_181 : vector<16xi32>
          %add3A_183 = arith.constant 64 : i32
          %add3A_184 = vector.broadcast %add3A_183 : i32 to vector<16xi32>
          %add3A_185 = arith.addi %and3A_182, %add3A_184 : vector<16xi32>
          %gather3A = tpu.vector_load_idx %arg14[%add3A_164, %and3A_182] : memref<128x128xf32, #tpu.memory_space<vmem>>[vector<16xi32>, vector<16xi32>], vector<16xf32>,
          %gather3A_186 = tpu.vector_load_idx %arg14[%add3A_164, %add3A_185] : memref<128x128xf32, #tpu.memory_space<vmem>>[vector<16xi32>, vector<16xi32>], vector<16xf32>,
          %gather3A_187 = tpu.vector_load_idx %arg14[%add3A_164, %and3A_182] : memref<128x128xf32, #tpu.memory_space<vmem>>[vector<16xi32>, vector<16xi32>], vector<16xf32>,
          %gather3A_188 = tpu.vector_load_idx %arg14[%add3A_164, %add3A_185] : memref<128x128xf32, #tpu.memory_space<vmem>>[vector<16xi32>, vector<16xi32>], vector<16xf32>,
          %gather3A_189 = tpu.vector_load_idx %arg14[%add3A_164, %and3A_182] : memref<128x128xf32, #tpu.memory_space<vmem>>[vector<16xi32>, vector<16xi32>], vector<16xf32>,
          %gather3A_190 = tpu.vector_load_idx %arg14[%add3A_164, %add3A_185] : memref<128x128xf32, #tpu.memory_space<vmem>>[vector<16xi32>, vector<16xi32>], vector<16xf32>,
          %mul3A_191 = arith.mulf %gather3A, %gather3A_189 : vector<16xf32>
          %mul3A_192 = arith.mulf %gather3A_186, %gather3A_190 : vector<16xf32>
          %sub3A = arith.subf %mul3A_191, %mul3A_192 : vector<16xf32>
          %mul3A_193 = arith.mulf %gather3A_187, %sub3A : vector<16xf32>
          %add3A_194 = arith.addf %scan3A_178, %mul3A_193 : vector<16xf32>
          %mul3A_195 = arith.mulf %gather3A, %gather3A_190 : vector<16xf32>
          %mul3A_196 = arith.mulf %gather3A_186, %gather3A_189 : vector<16xf32>
          %add3A_197 = arith.addf %mul3A_195, %mul3A_196 : vector<16xf32>
          %mul3A_198 = arith.mulf %gather3A_188, %add3A_197 : vector<16xf32>
          %add3A_199 = arith.addf %add3A_194, %mul3A_198 : vector<16xf32>
          scf.yield %add3A_199 : vector<16xf32>
        }
        %scan3A_172 = arith.constant 64 : i32
        %mul3A_173 = arith.constant 16 : i32
        %mul3A_174 = arith.muli %scan3A_159, %mul3A_173 : i32
        %swap3A = arith.index_cast %mul3A_174 : i32 to index
        %swap3A_175 = tpu.vector_load %arg15[%swap3A] {strides = array<i32>} : memref<128xf32, #tpu.memory_space<vmem>>, vector<16xf32>,
        tpu.vector_store %arg15[%swap3A], %scan3A_171 {strides = array<i32>} : memref<128xf32, #tpu.memory_space<vmem>>, vector<16xf32>,
        %scan3A_176 = arith.constant 0 : i32
        scf.yield %scan3A_176 : i32
      }
      %scan3A_99 = arith.constant 8 : i32
      %mul3A_100 = arith.constant 128 : i32
      %mul3A_101 = arith.muli %add3A_59, %mul3A_100 : i32
      %add3A_102 = arith.addi %mul3A_2, %mul3A_101 : i32
      %dma_start3A_103 = tpu.memref_slice %arg5[%add3A_102] : memref<507904xf32, #tpu.memory_space<hbm>> -> memref<128xf32, #tpu.memory_space<hbm>>
      %dma_start3A_104 = tpu.memref_slice %arg5[%add3A_102] : memref<507904xf32, #tpu.memory_space<hbm>> -> memref<128xf32, #tpu.memory_space<hbm>>
      tpu.enqueue_dma source(%arg15 : memref<128xf32, #tpu.memory_space<vmem>>) target(%dma_start3A_104 : memref<128xf32, #tpu.memory_space<hbm>>) target_semaphore(%arg21 : memref<!tpu.dma_semaphore, #tpu.memory_space<semaphore_mem>>)
      %mul3A_105 = arith.constant 2 : i32
      %mul3A_106 = arith.muli %mul3A_105, %scan3A_54 : i32
      %add3A_107 = arith.constant 1 : i32
      %add3A_108 = arith.addi %mul3A_106, %add3A_107 : i32
      %dma_wait3A_109 = arith.constant 0 : i32
      %dma_wait3A_110 = arith.constant 0 : i32
      %dma_wait3A_111 = tpu.memref_slice %arg2[%dma_wait3A_109, %dma_wait3A_110] : memref<100000x128xbf16, #tpu.memory_space<hbm>> -> memref<128x128xbf16, #tpu.memory_space<hbm>>
      %dma_wait3A_112 = arith.constant 0 : i32
      %dma_wait3A_113 = arith.constant 0 : i32
      %dma_wait3A_114 = tpu.memref_slice %arg2[%dma_wait3A_112, %dma_wait3A_113] : memref<100000x128xbf16, #tpu.memory_space<hbm>> -> memref<128x128xbf16, #tpu.memory_space<hbm>>
      tpu.wait_dma2 semaphore(%arg20 : memref<!tpu.dma_semaphore, #tpu.memory_space<semaphore_mem>>) src(%dma_wait3A_114 : memref<128x128xbf16, #tpu.memory_space<hbm>>) dst(%arg11 : memref<128x128xbf16, #tpu.memory_space<vmem>>)
      %dma_wait3A_115 = arith.constant 0 : i32
      %dma_wait3A_116 = arith.constant 0 : i32
      %dma_wait3A_117 = tpu.memref_slice %arg2[%dma_wait3A_115, %dma_wait3A_116] : memref<100000x128xbf16, #tpu.memory_space<hbm>> -> memref<128x128xbf16, #tpu.memory_space<hbm>>
      %dma_wait3A_118 = arith.constant 0 : i32
      %dma_wait3A_119 = arith.constant 0 : i32
      %dma_wait3A_120 = tpu.memref_slice %arg2[%dma_wait3A_118, %dma_wait3A_119] : memref<100000x128xbf16, #tpu.memory_space<hbm>> -> memref<128x128xbf16, #tpu.memory_space<hbm>>
      tpu.wait_dma2 semaphore(%arg20 : memref<!tpu.dma_semaphore, #tpu.memory_space<semaphore_mem>>) src(%dma_wait3A_120 : memref<128x128xbf16, #tpu.memory_space<hbm>>) dst(%arg12 : memref<128x128xbf16, #tpu.memory_space<vmem>>)
      %dma_wait3A_121 = arith.constant 0 : i32
      %dma_wait3A_122 = arith.constant 0 : i32
      %dma_wait3A_123 = tpu.memref_slice %arg2[%dma_wait3A_121, %dma_wait3A_122] : memref<100000x128xbf16, #tpu.memory_space<hbm>> -> memref<128x128xbf16, #tpu.memory_space<hbm>>
      %dma_wait3A_124 = arith.constant 0 : i32
      %dma_wait3A_125 = arith.constant 0 : i32
      %dma_wait3A_126 = tpu.memref_slice %arg2[%dma_wait3A_124, %dma_wait3A_125] : memref<100000x128xbf16, #tpu.memory_space<hbm>> -> memref<128x128xbf16, #tpu.memory_space<hbm>>
      tpu.wait_dma2 semaphore(%arg20 : memref<!tpu.dma_semaphore, #tpu.memory_space<semaphore_mem>>) src(%dma_wait3A_126 : memref<128x128xbf16, #tpu.memory_space<hbm>>) dst(%arg13 : memref<128x128xbf16, #tpu.memory_space<vmem>>)
      %add3A_127 = arith.constant 2 : i32
      %add3A_128 = arith.addi %add3A_108, %add3A_127 : i32
      %lt3A_129 = arith.constant 124 : i32
      %lt3A_130 = arith.cmpi slt, %add3A_128, %lt3A_129 : i32
      %convert_element_type3A_131 = arith.extui %lt3A_130 : i1 to i32
      %cond3A_132 = arith.constant 0 : i32
      %cond3A_133 = arith.cmpi ne, %convert_element_type3A_131, %cond3A_132 : i32
      scf.if %cond3A_133 {
        %add3A_159 = arith.constant 2 : i32
        %add3A_160 = arith.addi %add3A_108, %add3A_159 : i32
        %mul3A_161 = arith.constant 128 : i32
        %mul3A_162 = arith.muli %add3A_160, %mul3A_161 : i32
        %add3A_163 = arith.addi %mul3A_2, %mul3A_162 : i32
        %dma_start3A_164 = arith.constant 0 : i32
        %dma_start3A_165 = tpu.memref_slice %arg3[%dma_start3A_164, %add3A_163] : memref<3x507904xi32, #tpu.memory_space<hbm>> -> memref<3x128xi32, #tpu.memory_space<hbm>>
        %dma_start3A_166 = arith.constant 0 : i32
        %dma_start3A_167 = tpu.memref_slice %arg3[%dma_start3A_166, %add3A_163] : memref<3x507904xi32, #tpu.memory_space<hbm>> -> memref<3x128xi32, #tpu.memory_space<hbm>>
        tpu.enqueue_dma source(%dma_start3A_167 : memref<3x128xi32, #tpu.memory_space<hbm>>) target(%arg7 : memref<3x128xi32, #tpu.memory_space<vmem>>) target_semaphore(%arg18 : memref<!tpu.dma_semaphore, #tpu.memory_space<semaphore_mem>>)
      } else {
      }
      %add3A_134 = arith.constant 1 : i32
      %add3A_135 = arith.addi %add3A_108, %add3A_134 : i32
      %lt3A_136 = arith.constant 124 : i32
      %lt3A_137 = arith.cmpi slt, %add3A_135, %lt3A_136 : i32
      %convert_element_type3A_138 = arith.extui %lt3A_137 : i1 to i32
      %cond3A_139 = arith.constant 0 : i32
      %cond3A_140 = arith.cmpi ne, %convert_element_type3A_138, %cond3A_139 : i32
      scf.if %cond3A_140 {
        %dma_wait3A_159 = arith.constant 0 : i32
        %dma_wait3A_160 = arith.constant 0 : i32
        %dma_wait3A_161 = tpu.memref_slice %arg3[%dma_wait3A_159, %dma_wait3A_160] : memref<3x507904xi32, #tpu.memory_space<hbm>> -> memref<3x128xi32, #tpu.memory_space<hbm>>
        %dma_wait3A_162 = arith.constant 0 : i32
        %dma_wait3A_163 = arith.constant 0 : i32
        %dma_wait3A_164 = tpu.memref_slice %arg3[%dma_wait3A_162, %dma_wait3A_163] : memref<3x507904xi32, #tpu.memory_space<hbm>> -> memref<3x128xi32, #tpu.memory_space<hbm>>
        tpu.wait_dma2 semaphore(%arg17 : memref<!tpu.dma_semaphore, #tpu.memory_space<semaphore_mem>>) src(%dma_wait3A_164 : memref<3x128xi32, #tpu.memory_space<hbm>>) dst(%arg6 : memref<3x128xi32, #tpu.memory_space<vmem>>)
        %dma_start3A_165 = arith.constant 0 : i32
        %dma_start3A_166 = arith.constant 0 : i32
        %dma_start3A_167 = tpu.memref_slice %arg6[%dma_start3A_165, %dma_start3A_166] : memref<3x128xi32, #tpu.memory_space<vmem>> -> memref<1x128xi32, #tpu.memory_space<vmem>>
        %dma_start3A_168 = tpu.memref_squeeze %dma_start3A_167 : memref<1x128xi32, #tpu.memory_space<vmem>> -> memref<128xi32, #tpu.memory_space<vmem>>
        %dma_start3A_169 = arith.constant 0 : i32
        %dma_start3A_170 = arith.constant 0 : i32
        %dma_start3A_171 = tpu.memref_slice %arg2[%dma_start3A_169, %dma_start3A_170] : memref<100000x128xbf16, #tpu.memory_space<hbm>> -> memref<100000x128xbf16, #tpu.memory_space<hbm>>
        tpu.enqueue_indirect_dma source(%dma_start3A_171 : memref<100000x128xbf16, #tpu.memory_space<hbm>>) target(%arg8 : memref<128x128xbf16, #tpu.memory_space<vmem>>) offsets(%dma_start3A_168 : memref<128xi32, #tpu.memory_space<vmem>>) semaphore(%arg19 : memref<!tpu.dma_semaphore, #tpu.memory_space<semaphore_mem>>)
        %dma_start3A_172 = arith.constant 1 : i32
        %dma_start3A_173 = arith.constant 0 : i32
        %dma_start3A_174 = tpu.memref_slice %arg6[%dma_start3A_172, %dma_start3A_173] : memref<3x128xi32, #tpu.memory_space<vmem>> -> memref<1x128xi32, #tpu.memory_space<vmem>>
        %dma_start3A_175 = tpu.memref_squeeze %dma_start3A_174 : memref<1x128xi32, #tpu.memory_space<vmem>> -> memref<128xi32, #tpu.memory_space<vmem>>
        %dma_start3A_176 = arith.constant 0 : i32
        %dma_start3A_177 = arith.constant 0 : i32
        %dma_start3A_178 = tpu.memref_slice %arg2[%dma_start3A_176, %dma_start3A_177] : memref<100000x128xbf16, #tpu.memory_space<hbm>> -> memref<100000x128xbf16, #tpu.memory_space<hbm>>
        tpu.enqueue_indirect_dma source(%dma_start3A_178 : memref<100000x128xbf16, #tpu.memory_space<hbm>>) target(%arg9 : memref<128x128xbf16, #tpu.memory_space<vmem>>) offsets(%dma_start3A_175 : memref<128xi32, #tpu.memory_space<vmem>>) semaphore(%arg19 : memref<!tpu.dma_semaphore, #tpu.memory_space<semaphore_mem>>)
        %dma_start3A_179 = arith.constant 2 : i32
        %dma_start3A_180 = arith.constant 0 : i32
        %dma_start3A_181 = tpu.memref_slice %arg6[%dma_start3A_179, %dma_start3A_180] : memref<3x128xi32, #tpu.memory_space<vmem>> -> memref<1x128xi32, #tpu.memory_space<vmem>>
        %dma_start3A_182 = tpu.memref_squeeze %dma_start3A_181 : memref<1x128xi32, #tpu.memory_space<vmem>> -> memref<128xi32, #tpu.memory_space<vmem>>
        %dma_start3A_183 = arith.constant 0 : i32
        %dma_start3A_184 = arith.constant 0 : i32
        %dma_start3A_185 = tpu.memref_slice %arg4[%dma_start3A_183, %dma_start3A_184] : memref<1000x128xbf16, #tpu.memory_space<hbm>> -> memref<1000x128xbf16, #tpu.memory_space<hbm>>
        tpu.enqueue_indirect_dma source(%dma_start3A_185 : memref<1000x128xbf16, #tpu.memory_space<hbm>>) target(%arg10 : memref<128x128xbf16, #tpu.memory_space<vmem>>) offsets(%dma_start3A_182 : memref<128xi32, #tpu.memory_space<vmem>>) semaphore(%arg19 : memref<!tpu.dma_semaphore, #tpu.memory_space<semaphore_mem>>)
      } else {
      }
      %ge3A_141 = arith.constant 2 : i32
      %ge3A_142 = arith.cmpi sge, %add3A_108, %ge3A_141 : i32
      %convert_element_type3A_143 = arith.extui %ge3A_142 : i1 to i32
      %cond3A_144 = arith.constant 0 : i32
      %cond3A_145 = arith.cmpi ne, %convert_element_type3A_143, %cond3A_144 : i32
      scf.if %cond3A_145 {
        %dma_wait3A_159 = arith.constant 0 : i32
        %dma_wait3A_160 = tpu.memref_slice %arg5[%dma_wait3A_159] : memref<507904xf32, #tpu.memory_space<hbm>> -> memref<128xf32, #tpu.memory_space<hbm>>
        %dma_wait3A_161 = arith.constant 0 : i32
        %dma_wait3A_162 = tpu.memref_slice %arg5[%dma_wait3A_161] : memref<507904xf32, #tpu.memory_space<hbm>> -> memref<128xf32, #tpu.memory_space<hbm>>
        tpu.wait_dma2 semaphore(%arg22 : memref<!tpu.dma_semaphore, #tpu.memory_space<semaphore_mem>>) src(%dma_wait3A_162 : memref<128xf32, #tpu.memory_space<hbm>>) dst(%arg16 : memref<128xf32, #tpu.memory_space<vmem>>)
      } else {
      }
      %scan3A_146 = arith.constant 0 : i32
      %scan3A_147 = arith.constant 0 : i32
      %scan3A_148 = arith.constant 8 : i32
      %scan3A_149 = arith.addi %scan3A_147, %scan3A_148 : i32
      %scan3A_150 = arith.constant 1 : i32
      %scan3A_151 = scf.for %scan3A_159 = %scan3A_147 to %scan3A_149 step %scan3A_150 iter_args(%scan3A_160 = %scan3A_146) -> (i32)  : i32 {
        %mul3A_161 = arith.constant 16 : i32
        %mul3A_162 = arith.muli %scan3A_159, %mul3A_161 : i32
        %iota3A = tpu.iota {dimensions = array<i32: 0>} : vector<16xi32>
        %add3A_163 = vector.broadcast %mul3A_162 : i32 to vector<16xi32>
        %add3A_164 = arith.addi %add3A_163, %iota3A : vector<16xi32>
        %iota3A_165 = tpu.iota {dimensions = array<i32: 0>} : vector<16xi32>
        %broadcast_in_dim3A = arith.constant 0.000000e+00 : f32
        %broadcast_in_dim3A_166 = vector.broadcast %broadcast_in_dim3A : f32 to vector<16xf32>
        %scan3A_167 = arith.constant 0 : i32
        %scan3A_168 = arith.constant 64 : i32
        %scan3A_169 = arith.addi %scan3A_167, %scan3A_168 : i32
        %scan3A_170 = arith.constant 1 : i32
        %scan3A_171 = scf.for %scan3A_177 = %scan3A_167 to %scan3A_169 step %scan3A_170 iter_args(%scan3A_178 = %broadcast_in_dim3A_166) -> (vector<16xf32>)  : i32 {
          %add3A_179 = vector.broadcast %scan3A_177 : i32 to vector<16xi32>
          %add3A_180 = arith.addi %iota3A_165, %add3A_179 : vector<16xi32>
          %and3A = arith.constant 63 : i32
          %and3A_181 = vector.broadcast %and3A : i32 to vector<16xi32>
          %and3A_182 = arith.andi %add3A_180, %and3A_181 : vector<16xi32>
          %add3A_183 = arith.constant 64 : i32
          %add3A_184 = vector.broadcast %add3A_183 : i32 to vector<16xi32>
          %add3A_185 = arith.addi %and3A_182, %add3A_184 : vector<16xi32>
          %gather3A = tpu.vector_load_idx %arg14[%add3A_164, %and3A_182] : memref<128x128xf32, #tpu.memory_space<vmem>>[vector<16xi32>, vector<16xi32>], vector<16xf32>,
          %gather3A_186 = tpu.vector_load_idx %arg14[%add3A_164, %add3A_185] : memref<128x128xf32, #tpu.memory_space<vmem>>[vector<16xi32>, vector<16xi32>], vector<16xf32>,
          %gather3A_187 = tpu.vector_load_idx %arg14[%add3A_164, %and3A_182] : memref<128x128xf32, #tpu.memory_space<vmem>>[vector<16xi32>, vector<16xi32>], vector<16xf32>,
          %gather3A_188 = tpu.vector_load_idx %arg14[%add3A_164, %add3A_185] : memref<128x128xf32, #tpu.memory_space<vmem>>[vector<16xi32>, vector<16xi32>], vector<16xf32>,
          %gather3A_189 = tpu.vector_load_idx %arg14[%add3A_164, %and3A_182] : memref<128x128xf32, #tpu.memory_space<vmem>>[vector<16xi32>, vector<16xi32>], vector<16xf32>,
          %gather3A_190 = tpu.vector_load_idx %arg14[%add3A_164, %add3A_185] : memref<128x128xf32, #tpu.memory_space<vmem>>[vector<16xi32>, vector<16xi32>], vector<16xf32>,
          %mul3A_191 = arith.mulf %gather3A, %gather3A_189 : vector<16xf32>
          %mul3A_192 = arith.mulf %gather3A_186, %gather3A_190 : vector<16xf32>
          %sub3A = arith.subf %mul3A_191, %mul3A_192 : vector<16xf32>
          %mul3A_193 = arith.mulf %gather3A_187, %sub3A : vector<16xf32>
          %add3A_194 = arith.addf %scan3A_178, %mul3A_193 : vector<16xf32>
          %mul3A_195 = arith.mulf %gather3A, %gather3A_190 : vector<16xf32>
          %mul3A_196 = arith.mulf %gather3A_186, %gather3A_189 : vector<16xf32>
          %add3A_197 = arith.addf %mul3A_195, %mul3A_196 : vector<16xf32>
          %mul3A_198 = arith.mulf %gather3A_188, %add3A_197 : vector<16xf32>
          %add3A_199 = arith.addf %add3A_194, %mul3A_198 : vector<16xf32>
          scf.yield %add3A_199 : vector<16xf32>
        }
        %scan3A_172 = arith.constant 64 : i32
        %mul3A_173 = arith.constant 16 : i32
        %mul3A_174 = arith.muli %scan3A_159, %mul3A_173 : i32
        %swap3A = arith.index_cast %mul3A_174 : i32 to index
        %swap3A_175 = tpu.vector_load %arg16[%swap3A] {strides = array<i32>} : memref<128xf32, #tpu.memory_space<vmem>>, vector<16xf32>,
        tpu.vector_store %arg16[%swap3A], %scan3A_171 {strides = array<i32>} : memref<128xf32, #tpu.memory_space<vmem>>, vector<16xf32>,
        %scan3A_176 = arith.constant 0 : i32
        scf.yield %scan3A_176 : i32
      }
      %scan3A_152 = arith.constant 8 : i32
      %mul3A_153 = arith.constant 128 : i32
      %mul3A_154 = arith.muli %add3A_108, %mul3A_153 : i32
      %add3A_155 = arith.addi %mul3A_2, %mul3A_154 : i32
      %dma_start3A_156 = tpu.memref_slice %arg5[%add3A_155] : memref<507904xf32, #tpu.memory_space<hbm>> -> memref<128xf32, #tpu.memory_space<hbm>>
      %dma_start3A_157 = tpu.memref_slice %arg5[%add3A_155] : memref<507904xf32, #tpu.memory_space<hbm>> -> memref<128xf32, #tpu.memory_space<hbm>>
      tpu.enqueue_dma source(%arg16 : memref<128xf32, #tpu.memory_space<vmem>>) target(%dma_start3A_157 : memref<128xf32, #tpu.memory_space<hbm>>) target_semaphore(%arg22 : memref<!tpu.dma_semaphore, #tpu.memory_space<semaphore_mem>>)
      %scan3A_158 = arith.constant 0 : i32
      scf.yield %scan3A_158 : i32
    }
    %scan3A_45 = arith.constant 62 : i32
    %dma_wait3A_46 = arith.constant 0 : i32
    %dma_wait3A_47 = tpu.memref_slice %arg5[%dma_wait3A_46] : memref<507904xf32, #tpu.memory_space<hbm>> -> memref<128xf32, #tpu.memory_space<hbm>>
    %dma_wait3A_48 = arith.constant 0 : i32
    %dma_wait3A_49 = tpu.memref_slice %arg5[%dma_wait3A_48] : memref<507904xf32, #tpu.memory_space<hbm>> -> memref<128xf32, #tpu.memory_space<hbm>>
    tpu.wait_dma2 semaphore(%arg21 : memref<!tpu.dma_semaphore, #tpu.memory_space<semaphore_mem>>) src(%dma_wait3A_49 : memref<128xf32, #tpu.memory_space<hbm>>) dst(%arg15 : memref<128xf32, #tpu.memory_space<vmem>>)
    %dma_wait3A_50 = arith.constant 0 : i32
    %dma_wait3A_51 = tpu.memref_slice %arg5[%dma_wait3A_50] : memref<507904xf32, #tpu.memory_space<hbm>> -> memref<128xf32, #tpu.memory_space<hbm>>
    %dma_wait3A_52 = arith.constant 0 : i32
    %dma_wait3A_53 = tpu.memref_slice %arg5[%dma_wait3A_52] : memref<507904xf32, #tpu.memory_space<hbm>> -> memref<128xf32, #tpu.memory_space<hbm>>
    tpu.wait_dma2 semaphore(%arg22 : memref<!tpu.dma_semaphore, #tpu.memory_space<semaphore_mem>>) src(%dma_wait3A_53 : memref<128xf32, #tpu.memory_space<hbm>>) dst(%arg16 : memref<128xf32, #tpu.memory_space<vmem>>)
    return
  }
}

</mosaic_0001>

<sc_bundles>
// kernel: _sc_score.3.cloned.1.call-start
scs
__scs_entry_jumppad:
0x0: {  	(pc) =	sbr.rel $0x88, $3  }
0x1: {  	(tag) =	ssettag $0x0;
	lr =	simm.s32 $0x1  }
0x2: {  	[smem:$0x3F9E] =	sst lr;
	_ =	strace $0xD0000000  }
0x3: {  	_ = 	snop  }
0x4: {  	_ = 	snop  }
0x5: {  	_ = 	snop  }
0x6: {  	_ = 	snop  }
0x7: {  	_ = 	snop  }
__scs_overlays_trampoline_lowered:
0x8: {  	[smem:$0x3FAD] =	sst s0  }
0x9: {  	[smem:$0x3FAE] =	sst s1  }
0xa: {  	[smem:$0x3FAF] =	sst s2  }
0xb: {  	[smem:$0x3FB0] =	sst s3  }
0xc: {  	[smem:$0x3FB1] =	sst s4  }
0xd: {  	[smem:$0x3FB2] =	sst s5  }
0xe: {  	[smem:$0x3FB3] =	sst s6  }
0xf: {  	[smem:$0x3FB4] =	sst s7  }
0x10: {  	[smem:$0x3FB5] =	sst s8  }
0x11: {  	[smem:$0x3FB6] =	sst s9;
	s0 =	simm.s32 @!p0 $0x0  }
0x12: {  	s1 =	sld [smem:$0x3F9C];
	s0 =	simm.s32 @p0 $0x1  }
0x13: {  	[smem:$0x3FB7] =	sst s0;
	s0 =	simm.s32 @!p1 $0x0  }
0x14: {  	s2 =	sld [smem:$0x3F9B];
	s0 =	simm.s32 @p1 $0x1  }
0x15: {  	[smem:$0x3FB8] =	sst s0;
	s0 =	simm.s32 @!p2 $0x0  }
0x16: {  	s3 =	sld [smem:$0x3FDB];
	s0 =	simm.s32 @p2 $0x1  }
0x17: {  	s4 =	simm.s32 $0x1BF5;
	[smem:$0x3FBA] =	sst s0  }
0x18: {  	s0 =	sld [smem:$0x3F9D];
	_ =	swait.ge [sflag:s4], $0x0  }
0x19: {  	s7 =	sld [smem:$0x3F9E]  }
0x1a: {  	s8 =	sadd.s32 $0xFFFFE003, lr  }
0x1b: {  	s9 =	sadd.s32 $0xFFFFFEF7, lr;
	s5 =	simm.s32 $0xFFFFFFFF;
	p2 =	slt.u32 s8, $0xFFFFF086  }
0x1c: {  	p1 =	slt.u32 s9, $0xF7A;
	s5 =	simm.s32 @!p2 $0x0  }
0x1d: {  	s5 =	simm.s32 @p1 $0x1;
	p0 =	seq.s32 s7, s2  }
0x1e: {  	s7 =	smul.u32 @!p0 $0xF7A, s2;
	p2 =	seq.s32 @!p0 s5, $0x0  }
0x1f: {  	s9 =	smul.u32 $0xF7A, s1;
	s8 =	simm.s32 @!p0 $0x1BF5;
	p2 =	por !p2, p0  }
0x20: {  	[sflag:s8] =	ssyncset.s32 @!p0 $0xFFFFF086;
	s6 =	sadd.s32 @!p0 s3, s7;
	s7 =	simm.s32 @!p0 $0x108  }
0x21: {  	s3 =	sadd.s32 s3, s9;
	s6 =	sadd.s32 @!p0 $0x88, s6;
	s7 =	simm.s32 @p2 $0x1082  }
0x22: {  	[simem:s7], [sflag:s8] =	dma.local @!p0 [hbm:s6], $0xF7A  }
0x23: {  	s9 =	sor.u32 $0xD0000000, s2;
	s6 =	simm.s32 $0x108;
	_ =	swait.ge @!p0 [sflag:s8], $0x0  }
0x24: {  	s3 =	sadd.s32 $0x88, s3;
	s6 =	simm.s32 @!p1 $0x1082;
	[sflag:s4] =	ssyncset.s32 $0xFFFFF086  }
0x25: {  	[simem:s6], [sflag:s4] =	dma.local [hbm:s3], $0xF7A  }
0x26: {  	[smem:$0x3F9E] =	sst s1;
	(tag) =	ssettag s2;
	_ =	strace s9  }
0x27: {  	s1 =	sld [smem:$0x3FAE]  }
0x28: {  	s2 =	sld [smem:$0x3FAF]  }
0x29: {  	s4 =	sld [smem:$0x3FB1]  }
0x2a: {  	p0 =	seq.s32 s5, $0x0;
	s5 =	sld [smem:$0x3FB2]  }
0x2b: {  	s6 =	sld [smem:$0x3FB3]  }
0x2c: {  	s7 =	sld [smem:$0x3FB4]  }
0x2d: {  	s3 =	simm.s32 $0x108;
	s8 =	sld [smem:$0x3FB5]  }
0x2e: {  	s3 =	simm.s32 @!p0 $0x1082;
	s9 =	sld [smem:$0x3FB6]  }
0x2f: {  	lr =	sadd.s32 s0, s3;
	s0 =	sld [smem:$0x3FAD]  }
0x30: {  	s3 =	sld [smem:$0x3FB0]  }
0x31: {  	[smem:$0x3FB9] =	sst s10  }
0x32: {  	s10 =	sld [smem:$0x3FB7];
	_ =	sdelay $0x3  }
0x33: {  	p0 =	seq.s32 s10, $0x1;
	s10 =	sld [smem:$0x3FB9];
	_ =	sdelay $0x3  }
0x34: {  	[smem:$0x3FB9] =	sst s10  }
0x35: {  	s10 =	sld [smem:$0x3FB8];
	_ =	sdelay $0x3  }
0x36: {  	p1 =	seq.s32 s10, $0x1;
	s10 =	sld [smem:$0x3FB9];
	_ =	sdelay $0x3  }
0x37: {  	[smem:$0x3FB9] =	sst s10  }
0x38: {  	s10 =	sld [smem:$0x3FBA]  }
0x39: {  	_ = 	snop;
	(pc) =	sbr.ind lr, $3  }
0x3a: {  	_ = 	snop  }
0x3b: {  	_ = 	snop  }
0x3c: {  	p2 =	seq.s32 s10, $0x1;
	s10 =	sld [smem:$0x3FB9]  }
0x3d: {  	_ =	shalt  }
0x3e: {  	_ =	shalt  }
0x3f: {  	_ =	shalt  }
0x40: {  	_ =	shalt  }
0x41: {  	_ =	shalt  }
0x42: {  	_ =	shalt  }
0x43: {  	_ =	shalt  }
0x44: {  	_ =	shalt  }
0x45: {  	_ =	shalt  }
0x46: {  	_ =	shalt  }
0x47: {  	_ =	shalt  }
0x48: {  	_ =	shalt  }
0x49: {  	_ =	shalt  }
0x4a: {  	_ =	shalt  }
0x4b: {  	_ =	shalt  }
0x4c: {  	_ =	shalt  }
0x4d: {  	_ =	shalt  }
0x4e: {  	_ =	shalt  }
0x4f: {  	_ =	shalt  }
0x50: {  	_ =	shalt  }
0x51: {  	_ =	shalt  }
0x52: {  	_ =	shalt  }
0x53: {  	_ =	shalt  }
0x54: {  	_ =	shalt  }
0x55: {  	_ =	shalt  }
0x56: {  	_ =	shalt  }
0x57: {  	_ =	shalt  }
0x58: {  	_ =	shalt  }
0x59: {  	_ =	shalt  }
0x5a: {  	_ =	shalt  }
0x5b: {  	_ =	shalt  }
0x5c: {  	_ =	shalt  }
0x5d: {  	_ =	shalt  }
0x5e: {  	_ =	shalt  }
0x5f: {  	_ =	shalt  }
0x60: {  	_ =	shalt  }
0x61: {  	_ =	shalt  }
0x62: {  	_ =	shalt  }
0x63: {  	_ =	shalt  }
0x64: {  	_ =	shalt  }
0x65: {  	_ =	shalt  }
0x66: {  	_ =	shalt  }
0x67: {  	_ =	shalt  }
0x68: {  	_ =	shalt  }
0x69: {  	_ =	shalt  }
0x6a: {  	_ =	shalt  }
0x6b: {  	_ =	shalt  }
0x6c: {  	_ =	shalt  }
0x6d: {  	_ =	shalt  }
0x6e: {  	_ =	shalt  }
0x6f: {  	_ =	shalt  }
0x70: {  	_ =	shalt  }
0x71: {  	_ =	shalt  }
0x72: {  	_ =	shalt  }
0x73: {  	_ =	shalt  }
0x74: {  	_ =	shalt  }
0x75: {  	_ =	shalt  }
0x76: {  	_ =	shalt  }
0x77: {  	_ =	shalt  }
0x78: {  	_ =	shalt  }
0x79: {  	_ =	shalt  }
0x7a: {  	_ =	shalt  }
0x7b: {  	_ =	shalt  }
0x7c: {  	_ =	shalt  }
0x7d: {  	_ =	shalt  }
0x7e: {  	_ =	shalt  }
0x7f: {  	_ =	shalt  }
0x80: {  	_ =	shalt  }
0x81: {  	_ =	shalt  }
0x82: {  	_ =	shalt  }
0x83: {  	_ =	shalt  }
0x84: {  	_ =	shalt  }
0x85: {  	_ =	shalt  }
0x86: {  	_ =	shalt  }
0x87: {  	_ =	shalt  }
.Lfunc_end0:
.L_simem_size_0:
called_computation_lowered:
.L_overlay_start_0:
0x88: {  	s2 =	sld [smem:$0x3FD9]  }
0x89: {  	s3 =	sld [smem:$0x3FFE];
	_ =	sdelay $0x1  }
0x8a: {  	s1 =	srdreg.scid  }
0x8b: {  	s0 =	sand.u32 $0x1, s1  }
0x8c: {  	s17 =	sshll.u32 s0, $0xA;
	s2 =	sadd.s32 s3, s2  }
0x8d: {  	s2 =	sadd.s32 s2, s17  }
0x8e: {  	[smem:$0x3FC5] =	sst s2  }
0x8f: {  	_ = 	snop  }
0x90: {  	s2 =	sld [smem:$0x3FD0];
	(tm) =	ssettm $0x1  }
0x91: {  	s18 =	sld [smem:$0x3FFB];
	_ =	sdelay $0x3  }
0x92: {  	_ =	strace s18  }
0x93: {  	s3 =	sld [smem:$0x3FFC];
	_ =	sdelay $0x3  }
0x94: {  	_ =	strace s3  }
0x95: {  	s3 =	sld [smem:$0x3FFD];
	_ =	sdelay $0x3  }
0x96: {  	_ =	strace s3  }
0x97: {  	_ =	strace $0x8FFFFFFF  }
0x98: {  	s19 =	sld [smem:$0x3FDB];
	_ =	sdelay $0x1  }
0x99: {  	s4 =	simm.s32 $_scs_section_size  }
0x9a: {  	s5 =	simm.s32 $_size__tile_overlayer_lowered;
	s6 =	simm.s32 $_tile_overlayer_lowered  }
0x9b: {  	s22 =	simm.s32 $0x1BFF;
	s21 =	sshll.u32 s6, $0x1;
	s3 =	sadd.s32 s4, s19  }
0x9c: {  	s7 =	simm.s32 $0x0;
	s20 =	sshll.u32 s5, $0x1;
	s5 =	sadd.s32 s21, s3  }
0x9d: {  	[timem:s7], [sflag:s22] =	dma.local [hbm:s5], s20  }
0x9e: {  	_ =	swait.ge [sflag:s22], s20  }
0x9f: {  	s4 =	ssub.s32 $0x0, s20;
	[sflag:s22] =	ssyncset.done $0x0  }
0xa0: {  	[sflag:s22] =	ssyncadd.s32 s4;
	_ =	sdelay $0x1  }
0xa1: {  	s23 =	simm.s32 $0x1B8B  }
0xa2: {  	_ =	swait.ge [sflag:s23], $0x1  }
0xa3: {  	[sflag:s23] =	ssyncset.done $0x0  }
0xa4: {  	s25 =	simm.s32 $0x1B8E;
	s24 =	sld [smem:$0x3FFE];
	[sflag:s23] =	ssyncadd.s32 $0xFFFFFFFF  }
0xa5: {  	s26 =	simm.s32 $execute0_lowered;
	[smem:$0x3FD2] =	sst s25  }
0xa6: {  	s5 =	sshll.u32 s26, $0x1;
	_ =	strace $0x80000046;
	[dreg:$0x1] =	wrdreg $0xFFFFFFFF  }
0xa7: {  	s28 =	simm.s32 $_size_execute0_lowered;
	s3 =	sadd.s32 s3, s5;
	[dreg:$0x0] =	wrdreg $0x0  }
0xa8: {  	s5 =	sshll.u32 s28, $0x1;
	[dreg:$0x2] =	wrdreg s3  }
0xa9: {  	[dreg:$0x3] =	wrdreg s5  }
0xaa: {  	[dreg:$0x4] =	wrdreg $0xC0  }
0xab: {  	_ =	task [dreg:s7], $0x5FFFF  }
0xac: {  	[dreg:$0x1] =	wrdreg $0xFFFFFFFF  }
0xad: {  	[dreg:$0x0] =	wrdreg $0x60  }
0xae: {  	[dreg:$0x2] =	wrdreg s24  }
0xaf: {  	[dreg:$0x3] =	wrdreg s2  }
0xb0: {  	[dreg:$0x4] =	wrdreg $0x9  }
0xb1: {  	_ =	task.clear_ibuf [dreg:s7], $0x5FFFF;
	_ =	strace $0x90000046  }
0xb2: {  	s29 =	simm.s32 $0x9;
	_ =	strace $0x80000048  }
0xb3: {  	_ =	swait.ge [sflag:s29], $0x1  }
0xb4: {  	[sflag:s29] =	ssyncadd.s32 $0xFFFFFFFF  }
0xb5: {  	_ =	strace $0x90000048  }
0xb6: {  	_ =	sfence  }
0xb7: {  	s30 =	sld [smem:$0x0];
	_ =	sdelay $0x2  }
0xb8: {  	s31 =	sshll.u32 s1, $0xD;
	s1 =	sshrl.u32 s1, $0x2  }
0xb9: {  	s3 =	sand.u32 $0x4000, s31;
	s1 =	sadd.s32 s1, s30  }
0xba: {  	s0 =	sor.u32 s3, s0;
	s1 =	sshll.u32 s1, $0x11  }
0xbb: {  	s0 =	sor.u32 s1, s0  }
0xbc: {  	s0 =	sadd.s32 $0x8F2B, s0  }
0xbd: {  	[sflag:s0] =	ssyncadd.remote.s32 $0x1  }
0xbe: {  	_ =	sfence.sel $0xFFFF  }
0xbf: {  	[dreg:$0x0] =	wrdreg $0xFFFFFFFF;
	(pc) =	sbr.abs _section_cstart, $3  }
0xc0: {  	[dreg:$0x1] =	wrdreg $0xFFFFFFFF  }
0xc1: {  	_ =	task.clear_ibuf [dreg:s7], $0x2FFFF;
	_ =	strace $0x9FFFFFFF  }
0xc2: {  	(tm) =	ssettm $0x7FFFFFFF  }
0xc3: {  	_ =	shalt  }
tec
execute0_lowered:
.L_overlay_start_1:
0x0: {  	(tag) =	ssettag $0x1  }
0x1: {  	s0 =	rddreg [dreg:$0x0];
	s1 =	srdreg.scid  }
0x2: {  	s3 =	stileid.u32;
	s2 =	rddreg [dreg:$0x1]  }
0x3: {  	s14 =	simm.s32 $0x80;
	s16 =	simm.s32 $0x180;
	s22 =	simm.s32 $0x3  }
0x4: {  	s23 =	simm.s32 $0x2;
	s24 =	simm.s32 $0x6300;
	s28 =	simm.s32 $0x280  }
0x5: {  	s29 =	simm.s32 $0xA300;
	s30 =	simm.s32 $0xC300;
	s31 =	simm.s32 $0x10300  }
0x6: {  	s18 =	simm.s32 $0x5;
	s19 =	simm.s32 $0x6;
	s20 =	simm.s32 $0x0  }
0x7: {  	s1 =	sand.u32 $0x1, s1;
	s4 =	sshll.u32 s3, $0x1;
	s3 =	simm.s32 $0x0  }
0x8: {  	s5 =	sadd.s32 $0x600, s0;
	s6 =	sadd.s32 $0xC3C00, s0;
	s4 =	sor.u32 s1, s4  }
0x9: {  	[smem:$0x7FF] =	sst s3;
	s1 =	ssub.s32 $0x2, s1;
	s4 =	smul.u32 $0x3E00, s4  }
0xa: {  	s7 =	sadd.s32 $0xF2400, s0;
	_ =	strace $0x80000047;
	s8 =	sshrl.u32 s1, $0x1  }
0xb: {  	s25 =	ssub.s32 s1, s8;
	s9 =	sshrl.u32 s4, $0x3;
	s10 =	sor.u32 $0x100, s4  }
0xc: {  	s11 =	sor.u32 $0x180, s4;
	s12 =	sor.u32 $0x80, s4;
	s0 =	smax.u32 s25, $0x1  }
0xd: {  	s25 =	simm.s32 $0x200;
	s26 =	sadd.s32 s6, s9;
	[dreg:$0x5] =	wrdreg s0  }
0xe: {  	v0 =	vlaneseq.u32;
	s0 =	simm.s32 $0x10380;
	[dreg:$0x3] =	wrdreg s26;
	s1 =	sadd.s32 $0x10, s26  }
0xf: {  	v1 =	vmul.u32 $0x80, v0;
	s26 =	simm.s32 $0x8300;
	[dreg:$0x4] =	wrdreg s1;
	s1 =	simm.s32 $0x4  }
.LBB2_1:
0x10: {  	s8 =	rddreg [dreg:$0x3];
	s9 =	simm.s32 $0x7C000  }
0x11: {  	[tilespmem:s3], [sflag:$0x1] =	stream.strided.gather [hbm4b:s8+s14], $0x180, s9, s14, $0x38;
	[tilespmem:$0x10400] =	vst v63  }
0x12: {  	s21 =	rddreg [dreg:$0x4]  }
0x13: {  	[tilespmem:s16], [sflag:$0x2] =	stream.strided.gather [hbm4b:s21+s14], $0x180, s9, s14, $0x38;
	[tilespmem:$0x10400] =	vst v63  }
0x14: {  	s9 =	simm.s32 $0x1  }
0x15: {  	_ =	swait.ge [sflag:s9], $0x180  }
0x16: {  	[sflag:s9] =	ssyncset.done $0x0  }
0x17: {  	s13 =	simm.s32 $0x300;
	[sflag:s9] =	ssyncadd.s32 $0xFFFFFE80  }
0x18: {  	[tilespmem:s13], [sflag:$0x3] =	stream.indirect.gather [hbm4b:s5+s14], $0x40, s3, s14, $0xb8;
	[tilespmem:$0x10400] =	vst v63  }
0x19: {  	s15 =	simm.s32 $0x2300  }
0x1a: {  	[tilespmem:s15], [sflag:$0x3] =	stream.indirect.gather [hbm4b:s5+s14], $0x40, s14, s14, $0xb8;
	[tilespmem:$0x10400] =	vst v63  }
0x1b: {  	s17 =	simm.s32 $0x100;
	s21 =	simm.s32 $0x4300  }
0x1c: {  	[tilespmem:s21], [sflag:$0x3] =	stream.indirect.gather [hbm4b:s7+s14], $0x40, s17, s14, $0xb8;
	[tilespmem:$0x10400] =	vst v63  }
0x1d: {  	s21 =	simm.s32 $0x0  }
.LBB2_2:
0x1e: {  	_ =	swait.ge [sflag:s22], $0x2000  }
0x1f: {  	[sflag:s22] =	ssyncset.done $0x0  }
0x20: {  	[sflag:s22] =	ssyncadd.s32 $0xFFFFE000  }
0x21: {  	_ =	swait.ge [sflag:s22], $0x2000  }
0x22: {  	[sflag:s22] =	ssyncset.done $0x0  }
0x23: {  	s9 =	sshll.u32 s21, $0x8;
	p0 =	seq.s32 s21, $0x3D;
	[sflag:s22] =	ssyncadd.s32 $0xFFFFE000  }
0x24: {  	s8 =	sadd.s32 @!p0 s9, s10;
	s13 =	simm.s32 @!p0 $0x80;
	_ =	swait.ge [sflag:s22], $0x2000  }
0x25: {  	s15 =	simm.s32 @!p0 $0x7C000;
	s8 =	sshrl.u32 @!p0 s8, $0x3;
	[sflag:s22] =	ssyncset.done $0x0  }
0x26: {  	s17 =	simm.s32 @!p0 $0x0;
	s8 =	sadd.s32 @!p0 s6, s8;
	[sflag:s22] =	ssyncadd.s32 $0xFFFFE000  }
0x27: {  	[tilespmem:s17], [sflag:$0x1] =	stream.strided.gather @!p0 [hbm4b:s8+s13], $0x180, s15, s13, $0x38;
	[tilespmem:$0x10400] =	vst v63  }
0x28: {  	_ =	swait.ge [sflag:s23], $0x180  }
0x29: {  	[sflag:s23] =	ssyncset.done $0x0  }
0x2a: {  	[sflag:s23] =	ssyncadd.s32 $0xFFFFFE80  }
0x2b: {  	[tilespmem:s24], [sflag:$0x4] =	stream.indirect.gather [hbm4b:s5+s14], $0x40, s16, s14, $0xb8;
	[tilespmem:$0x10400] =	vst v63  }
0x2c: {  	p1 =	seq.s32 s21, $0x0  }
0x2d: {  	[tilespmem:s26], [sflag:$0x4] =	stream.indirect.gather [hbm4b:s5+s14], $0x40, s25, s14, $0xb8;
	[tilespmem:$0x10400] =	vst v63  }
0x2e: {  	s8 =	simm.s32 @!p1 $0x5  }
0x2f: {  	[tilespmem:s29], [sflag:$0x4] =	stream.indirect.gather [hbm4b:s7+s14], $0x40, s28, s14, $0xb8;
	[tilespmem:$0x10400] =	vst v63  }
0x30: {  	_ =	swait.ge @!p1 [sflag:s8], $0x80  }
0x31: {  	[sflag:s8] =	ssyncset.done @!p1 $0x0  }
0x32: {  	s15 =	simm.s32 $0x0;
	s13 =	simm.s32 $0x0;
	[sflag:s8] =	ssyncadd.s32 @!p1 $0xFFFFFF80  }
.LBB2_3:
0x33: {  	s8 =	sshll.u32 s13, $0x4  }
0x34: {  	v2 =	vmov s8  }
0x35: {  	v2 =	vshll.u32 v2, $0x7  }
0x36: {  	v4 =	vor.u32 v1, v2  }
0x37: {  	v2 =	vadd.s32 s15, v0;
	v5 =	vor.u32 $0x40, v4  }
0x38: {  	v3 =	vor.u32 v2, v5;
	v2 =	vand.u32 $0x3F, v2  }
0x39: {  	v2 =	vor.u32 v4, v2;
	_ =	sdelay $0x2  }
0x3a: {  	s17 =	simm.s32 $0x1  }
0x3b: {  	v6 =	vadd.s32 s17, v0;
	v3 =	vld.idx.msk [tilespmem:v3+s30+$0x0], $0xffff  }
0x3c: {  	v8 =	vor.u32 v6, v5;
	v6 =	vand.u32 $0x3F, v6;
	v9 =	vld.idx.msk [tilespmem:v2+s30+$0x0], $0xffff  }
0x3d: {  	v6 =	vor.u32 v4, v6;
	_ =	sdelay $0x2  }
0x3e: {  	s17 =	simm.s32 $0x2  }
0x3f: {  	v10 =	vadd.s32 s17, v0;
	v2 =	vld.idx.msk [tilespmem:v8+s30+$0x0], $0xffff;
	v12 =	vmul.f32 v3, v3;
	v11 =	vmul.f32 v9, v9  }
0x40: {  	v7 =	vimm.f32 $0.0e+00;
	s17 =	simm.s32 $0x3;
	v8 =	vor.u32 v10, v5;
	v6 =	vld.idx.msk [tilespmem:v6+s30+$0x0], $0xffff  }
.LBB2_4:
0x41: {  	p1 =	sne.s32 s17, $0x3F;
	v10 =	vand.u32 $0x3F, v10;
	v11 =	vsub.f32 v11, v12;
	v12 =	vmul.f32 v3, v9  }
0x42: {  	v13 =	vor.u32 v4, v10  }
.Ltmp0:
0x43: {  	v15 =	vmul.f32 v11, v9;
	v10 =	vadd.f32 v12, v12;
	(pc) =	sbr.rel @p1 .LBB2_4-.Ltmp0, $4  }
0x44: {  	_ = 	snop  }
0x45: {  	v7 =	vadd.f32 v15, v7;
	v14 =	vmul.f32 v10, v3;
	v3 =	vmov v2  }
0x46: {  	v10 =	vadd.s32 s17, v0;
	v11 =	vmul.f32 v6, v6;
	v9 =	vmovc v6;
	v12 =	vmul.f32 v2, v3;
	v2 =	vld.idx.msk [tilespmem:v8+s30+$0x0], $0xffff  }
0x47: {  	s17 =	sadd.s32 $0x1, s17;
	v8 =	vor.u32 v10, v5;
	v6 =	vld.idx.msk [tilespmem:v13+s30+$0x0], $0xffff;
	v7 =	vadd.f32 v7, v14  }
0x48: {  	v5 =	vand.u32 $0x3F, v10  }
0x49: {  	v4 =	vor.u32 v4, v5;
	_ =	sdelay $0x2  }
0x4a: {  	v50 =	vsub.f32 v11, v12  }
0x4b: {  	v51 =	vmul.f32 v3, v9;
	v8 =	vld.idx.msk [tilespmem:v8+s30+$0x0], $0xffff  }
0x4c: {  	v5 =	vmul.f32 v50, v9;
	v4 =	vld.idx.msk [tilespmem:v4+s30+$0x0], $0xffff  }
0x4d: {  	v52 =	vadd.f32 v51, v51;
	v54 =	vmul.f32 v2, v2;
	v53 =	vmul.f32 v6, v6  }
0x4e: {  	v56 =	vmul.f32 v2, v6  }
0x4f: {  	v5 =	vadd.f32 v5, v7;
	v3 =	vmul.f32 v52, v3;
	v55 =	vsub.f32 v53, v54  }
0x50: {  	v60 =	vmul.f32 v8, v8;
	v58 =	vadd.f32 v56, v56  }
0x51: {  	v3 =	vadd.f32 v5, v3;
	v57 =	vmul.f32 v55, v6;
	v59 =	vmul.f32 v4, v4  }
0x52: {  	v2 =	vmul.f32 v58, v2  }
0x53: {  	v3 =	vadd.f32 v57, v3;
	v62 =	vmul.f32 v8, v4;
	v61 =	vsub.f32 v59, v60;
	_ =	sdelay $0x1  }
0x54: {  	s13 =	sadd.s32 $0x1, s13;
	v2 =	vadd.f32 v3, v2;
	v63 =	vadd.f32 v62, v62;
	v3 =	vmul.f32 v61, v4  }
0x55: {  	p1 =	sne.s32 s13, $0x8  }
.Ltmp1:
0x56: {  	v2 =	vadd.f32 v3, v2;
	v3 =	vmul.f32 v63, v8;
	(pc) =	sbr.rel @p1 .LBB2_3-.Ltmp1, $3  }
0x57: {  	_ = 	snop  }
0x58: {  	v2 =	vadd.f32 v2, v3;
	_ =	sdelay $0x1  }
0x59: {  	[tilespmem:s8+$0x10300] =	vst v2  }
0x5a: {  	s8 =	sadd.s32 s4, s9  }
0x5b: {  	s8 =	sshrl.u32 s8, $0x3  }
0x5c: {  	s8 =	sadd.s32 s2, s8  }
0x5d: {  	[hbm4b:s8+s3] =	stream.linear.scatter [tilespmem:s31], [sflag:$0x5], $0x80, $0x38;
	[tilespmem:$0x10400] =	vst v63  }
0x5e: {  	_ =	swait.ge [sflag:s1], $0x2000  }
0x5f: {  	[sflag:s1] =	ssyncset.done $0x0  }
0x60: {  	[sflag:s1] =	ssyncadd.s32 $0xFFFFE000  }
0x61: {  	_ =	swait.ge [sflag:s1], $0x2000  }
0x62: {  	[sflag:s1] =	ssyncset.done $0x0  }
0x63: {  	[sflag:s1] =	ssyncadd.s32 $0xFFFFE000  }
0x64: {  	s13 =	simm.s32 @!p0 $0x80;
	s8 =	sadd.s32 @!p0 s9, s11;
	_ =	swait.ge [sflag:s1], $0x2000  }
0x65: {  	s15 =	simm.s32 @!p0 $0x7C000;
	s8 =	sshrl.u32 @!p0 s8, $0x3;
	[sflag:s1] =	ssyncset.done $0x0  }
0x66: {  	s17 =	simm.s32 @!p0 $0x180;
	s8 =	sadd.s32 @!p0 s6, s8;
	[sflag:s1] =	ssyncadd.s32 $0xFFFFE000  }
0x67: {  	[tilespmem:s17], [sflag:$0x2] =	stream.strided.gather @!p0 [hbm4b:s8+s13], $0x180, s15, s13, $0x38;
	[tilespmem:$0x10400] =	vst v63  }
0x68: {  	s8 =	simm.s32 @!p0 $0x1  }
0x69: {  	_ =	swait.ge @!p0 [sflag:s8], $0x180  }
0x6a: {  	[sflag:s8] =	ssyncset.done @!p0 $0x0  }
0x6b: {  	s15 =	simm.s32 @!p0 $0x300;
	[sflag:s8] =	ssyncadd.s32 @!p0 $0xFFFFFE80;
	s8 =	simm.s32 @!p0 $0x0  }
0x6c: {  	[tilespmem:s15], [sflag:$0x3] =	stream.indirect.gather @!p0 [hbm4b:s5+s13], $0x40, s8, s13, $0xb8;
	[tilespmem:$0x10400] =	vst v63  }
0x6d: {  	s8 =	simm.s32 @!p0 $0x2300  }
0x6e: {  	[tilespmem:s8], [sflag:$0x3] =	stream.indirect.gather @!p0 [hbm4b:s5+s13], $0x40, s13, s13, $0xb8;
	[tilespmem:$0x10400] =	vst v63  }
0x6f: {  	p1 =	seq.s32 @!p0 s21, $0x0;
	s15 =	simm.s32 @!p0 $0x4300;
	s8 =	simm.s32 @!p0 $0x100  }
0x70: {  	[tilespmem:s15], [sflag:$0x3] =	stream.indirect.gather @!p0 [hbm4b:s7+s13], $0x40, s8, s13, $0xb8;
	[tilespmem:$0x10400] =	vst v63  }
0x71: {  	p0 =	por p0, !p1  }
0x72: {  	_ =	swait.ge @p0 [sflag:s19], $0x80  }
0x73: {  	[sflag:s19] =	ssyncset.done @p0 $0x0  }
0x74: {  	s15 =	simm.s32 $0x0;
	s13 =	simm.s32 $0x0;
	[sflag:s19] =	ssyncadd.s32 @p0 $0xFFFFFF80  }
.LBB2_7:
0x75: {  	s8 =	sshll.u32 s13, $0x4  }
0x76: {  	v2 =	vmov s8  }
0x77: {  	v2 =	vshll.u32 v2, $0x7  }
0x78: {  	v4 =	vor.u32 v1, v2  }
0x79: {  	v2 =	vadd.s32 s15, v0;
	v5 =	vor.u32 $0x40, v4  }
0x7a: {  	v3 =	vor.u32 v2, v5;
	v2 =	vand.u32 $0x3F, v2  }
0x7b: {  	v2 =	vor.u32 v4, v2;
	_ =	sdelay $0x2  }
0x7c: {  	s17 =	simm.s32 $0x1  }
0x7d: {  	v6 =	vadd.s32 s17, v0;
	v3 =	vld.idx.msk [tilespmem:v3+s30+$0x0], $0xffff  }
0x7e: {  	v8 =	vor.u32 v6, v5;
	v6 =	vand.u32 $0x3F, v6;
	v9 =	vld.idx.msk [tilespmem:v2+s30+$0x0], $0xffff  }
0x7f: {  	v6 =	vor.u32 v4, v6;
	_ =	sdelay $0x2  }
0x80: {  	s17 =	simm.s32 $0x2  }
0x81: {  	v10 =	vadd.s32 s17, v0;
	v2 =	vld.idx.msk [tilespmem:v8+s30+$0x0], $0xffff;
	v12 =	vmul.f32 v3, v3;
	v11 =	vmul.f32 v9, v9  }
0x82: {  	v7 =	vimm.f32 $0.0e+00;
	s17 =	simm.s32 $0x3;
	v8 =	vor.u32 v10, v5;
	v6 =	vld.idx.msk [tilespmem:v6+s30+$0x0], $0xffff  }
.LBB2_8:
0x83: {  	p0 =	sne.s32 s17, $0x3F;
	v10 =	vand.u32 $0x3F, v10;
	v11 =	vsub.f32 v11, v12;
	v12 =	vmul.f32 v3, v9  }
0x84: {  	v13 =	vor.u32 v4, v10  }
.Ltmp2:
0x85: {  	v15 =	vmul.f32 v11, v9;
	v10 =	vadd.f32 v12, v12;
	(pc) =	sbr.rel @p0 .LBB2_8-.Ltmp2, $4  }
0x86: {  	_ = 	snop  }
0x87: {  	v7 =	vadd.f32 v15, v7;
	v14 =	vmul.f32 v10, v3;
	v3 =	vmov v2  }
0x88: {  	v10 =	vadd.s32 s17, v0;
	v11 =	vmul.f32 v6, v6;
	v9 =	vmovc v6;
	v12 =	vmul.f32 v2, v3;
	v2 =	vld.idx.msk [tilespmem:v8+s30+$0x0], $0xffff  }
0x89: {  	s17 =	sadd.s32 $0x1, s17;
	v8 =	vor.u32 v10, v5;
	v6 =	vld.idx.msk [tilespmem:v13+s30+$0x0], $0xffff;
	v7 =	vadd.f32 v7, v14  }
0x8a: {  	v5 =	vand.u32 $0x3F, v10  }
0x8b: {  	v4 =	vor.u32 v4, v5;
	_ =	sdelay $0x2  }
0x8c: {  	v50 =	vsub.f32 v11, v12  }
0x8d: {  	v51 =	vmul.f32 v3, v9;
	v8 =	vld.idx.msk [tilespmem:v8+s30+$0x0], $0xffff  }
0x8e: {  	v5 =	vmul.f32 v50, v9;
	v4 =	vld.idx.msk [tilespmem:v4+s30+$0x0], $0xffff  }
0x8f: {  	v52 =	vadd.f32 v51, v51;
	v54 =	vmul.f32 v2, v2;
	v53 =	vmul.f32 v6, v6  }
0x90: {  	v56 =	vmul.f32 v2, v6  }
0x91: {  	v5 =	vadd.f32 v5, v7;
	v3 =	vmul.f32 v52, v3;
	v55 =	vsub.f32 v53, v54  }
0x92: {  	v60 =	vmul.f32 v8, v8;
	v58 =	vadd.f32 v56, v56  }
0x93: {  	v3 =	vadd.f32 v5, v3;
	v57 =	vmul.f32 v55, v6;
	v59 =	vmul.f32 v4, v4  }
0x94: {  	v2 =	vmul.f32 v58, v2  }
0x95: {  	v3 =	vadd.f32 v57, v3;
	v62 =	vmul.f32 v8, v4;
	v61 =	vsub.f32 v59, v60;
	_ =	sdelay $0x1  }
0x96: {  	s13 =	sadd.s32 $0x1, s13;
	v2 =	vadd.f32 v3, v2;
	v63 =	vadd.f32 v62, v62;
	v3 =	vmul.f32 v61, v4  }
0x97: {  	p0 =	sne.s32 s13, $0x8  }
.Ltmp3:
0x98: {  	v2 =	vadd.f32 v3, v2;
	v3 =	vmul.f32 v63, v8;
	(pc) =	sbr.rel @p0 .LBB2_7-.Ltmp3, $3  }
0x99: {  	_ = 	snop  }
0x9a: {  	v2 =	vadd.f32 v2, v3;
	_ =	sdelay $0x1  }
0x9b: {  	[tilespmem:s8+$0x10380] =	vst v2  }
0x9c: {  	s21 =	sadd.s32 $0x1, s21  }
0x9d: {  	p0 =	sne.s32 s21, $0x3E  }
.Ltmp4:
0x9e: {  	_ = 	snop;
	(pc) =	sbr.rel @p0 .LBB2_2-.Ltmp4, $4  }
0x9f: {  	s8 =	sadd.s32 s9, s12  }
0xa0: {  	s8 =	sshrl.u32 s8, $0x3  }
0xa1: {  	s8 =	sadd.s32 s2, s8  }
0xa2: {  	[hbm4b:s8+s3] =	stream.linear.scatter [tilespmem:s0], [sflag:$0x6], $0x80, $0x38;
	[tilespmem:$0x10400] =	vst v63  }
0xa3: {  	_ =	swait.ge [sflag:s18], $0x80  }
0xa4: {  	[sflag:s18] =	ssyncset.done $0x0  }
0xa5: {  	[sflag:s18] =	ssyncadd.s32 $0xFFFFFF80  }
0xa6: {  	_ =	swait.ge [sflag:s19], $0x80  }
0xa7: {  	s20 =	sadd.s32 $0x1, s20;
	s8 =	rddreg [dreg:$0x5]  }
0xa8: {  	p0 =	sne.s32 s20, s8  }
.Ltmp5:
0xa9: {  	_ = 	snop;
	(pc) =	sbr.rel @p0 .LBB2_1-.Ltmp5, $3  }
0xaa: {  	_ =	sdelay $0x1  }
0xab: {  	[sflag:s19] =	ssyncset.done $0x0  }
0xac: {  	[sflag:s19] =	ssyncadd.s32 $0xFFFFFF80  }
0xad: {  	_ =	sfence.sel $0x180000  }
0xae: {  	[bflag:$0x0] =	sbarrier.arrive $0xFFFF  }
0xaf: {  	_ =	strace $0x90000047  }
0xb0: {  	s0 =	stileid.u32;
	[bflag:$0x2] =	sbarrier.arrive $0xFFFF  }
0xb1: {  	p0 =	sne.s32 s0, $0x0;
	s0 =	rddreg [dreg:$0x2]  }
0xb2: {  	s0 =	sadd.s32 @!p0 $0x100000, s0  }
0xb3: {  	[sflag:s0] =	ssyncadd.tile.s32 @!p0 $0x1;
	_ =	shalt  }
.Lfunc_end2:
_tile_overlayer_lowered:
.L_overlay_start_2:
0xb4: {  	(tag) =	ssettag $0x2  }
0xb5: {  	s0 =	rddreg [dreg:$0x0];
	s2 =	stileid.u32  }
0xb6: {  	s1 =	rddreg [dreg:$0x1];
	p0 =	sne.s32 s2, $0x0  }
0xb7: {  	s3 =	rddreg [dreg:$0x2];
	[bflag:$0x3] =	sbarrier.arrive $0xFFFF;
	s2 =	simm.s32 @!p0 $0x1C07  }
0xb8: {  	[timem:s3], [sflag:s2] =	dma.local @!p0 [hbm:s0], s1  }
0xb9: {  	s0 =	simm.s32 @!p0 $0x7  }
0xba: {  	_ =	swait.ge @!p0 [sflag:s0], s1  }
0xbb: {  	s1 =	ssub.s32 @!p0 $0x0, s1;
	[sflag:s0] =	ssyncset.done @!p0 $0x0  }
0xbc: {  	[sflag:s0] =	ssyncadd.s32 @!p0 s1  }
0xbd: {  	[bflag:$0x3] =	sbarrier.arrive $0xFFFF  }
0xbe: {  	_ =	shalt  }

</sc_bundles>
